<compile_context>
chip_gen: v7x
topology: tpu7x:2x2x1
jax: 0.10.2.dev20260603
libtpu: 0.0.44.dev20260713+nightly
codegen_flags: <defaults>
</compile_context>

<pallas_src>
import functools

import jax
import jax.numpy as jnp
from jax import lax
from jax.experimental import pallas as pl
from jax.experimental.pallas import tpu as pltpu
from jax.experimental.pallas import tpu_sc as plsc

VOCAB = 1000000
EMB = 64
BATCH = 16384
HIST = 50
NOUT = 2

NC = 2
NS = 16
NW = NC * NS
SPW = BATCH // NW
NCHUNK = 4
CHUNK = SPW // NCHUNK
ROWS_W = HIST * NCHUNK
OUTW = 128

BM = 2048


def _idxprep_body(x_ref, o_ref):
    x = x_ref[...]
    y = jnp.transpose(x)
    o_ref[...] = y.reshape(ROWS_W, CHUNK)


def _sums_body(idx_hbm, table_hbm, out_hbm, idx_v, acc_v,
               sem0, sem1, sem2, sem3):
    sems = (sem0, sem1, sem2, sem3)
    wid = lax.axis_index("s") * NC + lax.axis_index("c")
    base = wid * SPW

    pltpu.sync_copy(idx_hbm.at[pl.ds(wid * ROWS_W, ROWS_W)], idx_v)

    def chain(j, c):
        src = table_hbm.at[idx_v.at[j * NCHUNK + c]]
        dst = acc_v.at[pl.ds(c * CHUNK, CHUNK)]
        return pltpu.make_async_copy(src, dst, sems[c])

    for c in range(NCHUNK):
        chain(0, c).start()

    def body(j, carry):
        for c in range(NCHUNK):
            d = chain(j, c)
            d.wait()
            d.start(add=True)
        return carry

    lax.fori_loop(1, HIST, body, 0)
    for c in range(NCHUNK):
        chain(HIST - 1, c).wait()

    pltpu.sync_copy(acc_v, out_hbm.at[pl.ds(base, SPW), pl.ds(0, EMB)])


def _linear_body(x_ref, wb_ref, o_ref):
    x = x_ref[...]
    wb = wb_ref[...]
    y = jnp.dot(x[:, :EMB], wb[:EMB, :], preferred_element_type=jnp.float32)
    o_ref[...] = y * (1.0 / HIST) + wb[EMB, :][None, :]


@jax.jit
def _run(idx, wb, table):
    idx_r = pl.pallas_call(
        _idxprep_body,
        out_shape=jax.ShapeDtypeStruct((NW * ROWS_W, CHUNK), jnp.int32),
        grid=(NW,),
        in_specs=[pl.BlockSpec((SPW, HIST), lambda w: (w, 0))],
        out_specs=pl.BlockSpec((ROWS_W, CHUNK), lambda w: (w, 0)),
    )(idx)

    mesh = plsc.VectorSubcoreMesh(core_axis_name="c", subcore_axis_name="s")
    sums = pl.kernel(
        _sums_body,
        out_type=jax.ShapeDtypeStruct((BATCH, OUTW), jnp.float32),
        mesh=mesh,
        compiler_params=pltpu.CompilerParams(
            needs_layout_passes=False, use_tc_tiling_on_sc=False),
        scratch_types=[
            pltpu.VMEM((ROWS_W, CHUNK), jnp.int32),
            pltpu.VMEM((SPW, EMB), jnp.float32),
            pltpu.SemaphoreType.DMA,
            pltpu.SemaphoreType.DMA,
            pltpu.SemaphoreType.DMA,
            pltpu.SemaphoreType.DMA,
        ],
    )(idx_r, table)

    return pl.pallas_call(
        _linear_body,
        out_shape=jax.ShapeDtypeStruct((BATCH, NOUT), jnp.float32),
        grid=(BATCH // BM,),
        in_specs=[
            pl.BlockSpec((BM, OUTW), lambda i: (i, 0)),
            pl.BlockSpec((EMB + 1, NOUT), lambda i: (0, 0)),
        ],
        out_specs=pl.BlockSpec((BM, NOUT), lambda i: (i, 0)),
    )(sums, wb)


def kernel(inputs, table, W, b):
    wb = jnp.concatenate([W.T, b[None, :]], axis=0)
    return _run(inputs.astype(jnp.int32), wb, table.astype(jnp.float32))

# --- scband reference (transcript-rebuilt; emitter-appended) ---
"""Pipeline reference for scband-glove-log-reg-62869731278886 (READ-ONLY COPY).

The authoritative reference and input builder live on the scoring server;
editing this copy changes nothing except your own understanding.
"""

import jax, jax.numpy as jnp
import numpy as np

VOCAB = 1000000
EMB = 64
BATCH = 16384
HIST = 50

def setup_inputs(seed: int = 0) -> dict:
    key = jax.random.key(seed)
    k_idx, k_tab, k_w = jax.random.split(key, 3)
    inputs = jax.random.randint(k_idx, (BATCH, HIST), 0, VOCAB, dtype=jnp.int64 if jax.config.read('jax_enable_x64') else jnp.int32)
    table = jax.random.normal(k_tab, (VOCAB, EMB), dtype=jnp.float32) * 0.02
    # padding_idx=0 -> zero row, mirroring nn.Embedding(padding_idx=0)
    table = table.at[0].set(0.0)
    k_w1, k_w2 = jax.random.split(k_w)
    W = jax.random.normal(k_w1, (2, EMB), dtype=jnp.float32) * 0.02
    b = jnp.zeros((2,), dtype=jnp.float32)
    return {"inputs": inputs, "table": table, "W": W, "b": b}

def reference(inputs, table, W, b):
    # w_embs = self.word_emb(inputs)
    w_embs = jnp.take(table, inputs, axis=0)          # [B, L, E] gather
    # avg = w_embs.mean(1)
    avg = jnp.mean(w_embs, axis=1)                    # [B, E]
    # logits = self.logreg(avg)  (nn.Linear: x @ W.T + b)
    logits = avg @ W.T + b                            # [B, 2]
    return logits

if __name__ == "__main__":
    import jax
    _d = setup_inputs()
    print(jax.jit(kernel)(*tuple(_d.values())))

</pallas_src>

<mosaic_0001>
#map = affine_map<(d0, d1) -> (0, 0)>
module attributes {stable_mosaic.version = 14 : i64} {
  func.func @_sums_body(%arg0: i32, %arg1: i32, %arg2: memref<6400x128xi32, #tpu.memory_space<hbm>>, %arg3: memref<1000000x64xf32, #tpu.memory_space<hbm>>, %arg4: memref<16384x128xf32, #tpu.memory_space<hbm>>, %arg5: memref<200x128xi32, #tpu.memory_space<vmem>>, %arg6: memref<512x64xf32, #tpu.memory_space<vmem>>, %arg7: memref<!tpu.dma_semaphore, #tpu.memory_space<semaphore_mem>>, %arg8: memref<!tpu.dma_semaphore, #tpu.memory_space<semaphore_mem>>, %arg9: memref<!tpu.dma_semaphore, #tpu.memory_space<semaphore_mem>>, %arg10: memref<!tpu.dma_semaphore, #tpu.memory_space<semaphore_mem>>) attributes {dimension_semantics = [#tpu.dimension_semantics<core_parallel>, #tpu.dimension_semantics<subcore_parallel>], iteration_bounds = array<i64: 2, 16>, scalar_prefetch = 0 : i64, scratch_operands = 6 : i64, tpu.core_type = #tpu.core_type<sc_vector_subcore>, window_params = [{transform_indices = #map}, {transform_indices = #map}, {transform_indices = #map}]} {
    %mul3A = arith.constant 2 : i32
    %mul3A_0 = arith.muli %arg1, %mul3A : i32
    %add3A = arith.addi %mul3A_0, %arg0 : i32
    %mul3A_1 = arith.constant 512 : i32
    %mul3A_2 = arith.muli %add3A, %mul3A_1 : i32
    %mul3A_3 = arith.constant 200 : i32
    %mul3A_4 = arith.muli %add3A, %mul3A_3 : i32
    "tpu.region"() ({
      %run_scoped3A = tpu.sem_alloc : memref<!tpu.dma_semaphore, #tpu.memory_space<semaphore_mem>>
      %dma_start3A_88 = arith.constant 0 : i32
      %dma_start3A_89 = tpu.memref_slice %arg2[%mul3A_4, %dma_start3A_88] : memref<6400x128xi32, #tpu.memory_space<hbm>> -> memref<200x128xi32, #tpu.memory_space<hbm>>
      %dma_start3A_90 = arith.constant 0 : i32
      %dma_start3A_91 = tpu.memref_slice %arg2[%mul3A_4, %dma_start3A_90] : memref<6400x128xi32, #tpu.memory_space<hbm>> -> memref<200x128xi32, #tpu.memory_space<hbm>>
      tpu.enqueue_dma source(%dma_start3A_91 : memref<200x128xi32, #tpu.memory_space<hbm>>) target(%arg5 : memref<200x128xi32, #tpu.memory_space<vmem>>) target_semaphore(%run_scoped3A : memref<!tpu.dma_semaphore, #tpu.memory_space<semaphore_mem>>)
      %dma_wait3A_92 = arith.constant 0 : i32
      %dma_wait3A_93 = tpu.memref_slice %arg2[%mul3A_4, %dma_wait3A_92] : memref<6400x128xi32, #tpu.memory_space<hbm>> -> memref<200x128xi32, #tpu.memory_space<hbm>>
      %dma_wait3A_94 = arith.constant 0 : i32
      %dma_wait3A_95 = tpu.memref_slice %arg2[%mul3A_4, %dma_wait3A_94] : memref<6400x128xi32, #tpu.memory_space<hbm>> -> memref<200x128xi32, #tpu.memory_space<hbm>>
      tpu.wait_dma2 semaphore(%run_scoped3A : memref<!tpu.dma_semaphore, #tpu.memory_space<semaphore_mem>>) src(%dma_wait3A_95 : memref<200x128xi32, #tpu.memory_space<hbm>>) dst(%arg5 : memref<200x128xi32, #tpu.memory_space<vmem>>)
      tpu.yield
    }) : () -> ()
    %dma_start3A = arith.constant 0 : i32
    %dma_start3A_5 = arith.constant 0 : i32
    %dma_start3A_6 = arith.constant 0 : i32
    %dma_start3A_7 = tpu.memref_slice %arg6[%dma_start3A_5, %dma_start3A_6] : memref<512x64xf32, #tpu.memory_space<vmem>> -> memref<128x64xf32, #tpu.memory_space<vmem>>
    %dma_start3A_8 = arith.constant 0 : i32
    %dma_start3A_9 = tpu.memref_slice %arg5[%dma_start3A, %dma_start3A_8] : memref<200x128xi32, #tpu.memory_space<vmem>> -> memref<1x128xi32, #tpu.memory_space<vmem>>
    %dma_start3A_10 = tpu.memref_squeeze %dma_start3A_9 : memref<1x128xi32, #tpu.memory_space<vmem>> -> memref<128xi32, #tpu.memory_space<vmem>>
    %dma_start3A_11 = arith.constant 0 : i32
    %dma_start3A_12 = arith.constant 0 : i32
    %dma_start3A_13 = tpu.memref_slice %arg3[%dma_start3A_11, %dma_start3A_12] : memref<1000000x64xf32, #tpu.memory_space<hbm>> -> memref<1000000x64xf32, #tpu.memory_space<hbm>>
    tpu.enqueue_indirect_dma source(%dma_start3A_13 : memref<1000000x64xf32, #tpu.memory_space<hbm>>) target(%dma_start3A_7 : memref<128x64xf32, #tpu.memory_space<vmem>>) offsets(%dma_start3A_10 : memref<128xi32, #tpu.memory_space<vmem>>) semaphore(%arg7 : memref<!tpu.dma_semaphore, #tpu.memory_space<semaphore_mem>>)
    %dma_start3A_14 = arith.constant 1 : i32
    %dma_start3A_15 = arith.constant 128 : i32
    %dma_start3A_16 = arith.constant 0 : i32
    %dma_start3A_17 = tpu.memref_slice %arg6[%dma_start3A_15, %dma_start3A_16] : memref<512x64xf32, #tpu.memory_space<vmem>> -> memref<128x64xf32, #tpu.memory_space<vmem>>
    %dma_start3A_18 = arith.constant 0 : i32
    %dma_start3A_19 = tpu.memref_slice %arg5[%dma_start3A_14, %dma_start3A_18] : memref<200x128xi32, #tpu.memory_space<vmem>> -> memref<1x128xi32, #tpu.memory_space<vmem>>
    %dma_start3A_20 = tpu.memref_squeeze %dma_start3A_19 : memref<1x128xi32, #tpu.memory_space<vmem>> -> memref<128xi32, #tpu.memory_space<vmem>>
    %dma_start3A_21 = arith.constant 0 : i32
    %dma_start3A_22 = arith.constant 0 : i32
    %dma_start3A_23 = tpu.memref_slice %arg3[%dma_start3A_21, %dma_start3A_22] : memref<1000000x64xf32, #tpu.memory_space<hbm>> -> memref<1000000x64xf32, #tpu.memory_space<hbm>>
    tpu.enqueue_indirect_dma source(%dma_start3A_23 : memref<1000000x64xf32, #tpu.memory_space<hbm>>) target(%dma_start3A_17 : memref<128x64xf32, #tpu.memory_space<vmem>>) offsets(%dma_start3A_20 : memref<128xi32, #tpu.memory_space<vmem>>) semaphore(%arg8 : memref<!tpu.dma_semaphore, #tpu.memory_space<semaphore_mem>>)
    %dma_start3A_24 = arith.constant 2 : i32
    %dma_start3A_25 = arith.constant 256 : i32
    %dma_start3A_26 = arith.constant 0 : i32
    %dma_start3A_27 = tpu.memref_slice %arg6[%dma_start3A_25, %dma_start3A_26] : memref<512x64xf32, #tpu.memory_space<vmem>> -> memref<128x64xf32, #tpu.memory_space<vmem>>
    %dma_start3A_28 = arith.constant 0 : i32
    %dma_start3A_29 = tpu.memref_slice %arg5[%dma_start3A_24, %dma_start3A_28] : memref<200x128xi32, #tpu.memory_space<vmem>> -> memref<1x128xi32, #tpu.memory_space<vmem>>
    %dma_start3A_30 = tpu.memref_squeeze %dma_start3A_29 : memref<1x128xi32, #tpu.memory_space<vmem>> -> memref<128xi32, #tpu.memory_space<vmem>>
    %dma_start3A_31 = arith.constant 0 : i32
    %dma_start3A_32 = arith.constant 0 : i32
    %dma_start3A_33 = tpu.memref_slice %arg3[%dma_start3A_31, %dma_start3A_32] : memref<1000000x64xf32, #tpu.memory_space<hbm>> -> memref<1000000x64xf32, #tpu.memory_space<hbm>>
    tpu.enqueue_indirect_dma source(%dma_start3A_33 : memref<1000000x64xf32, #tpu.memory_space<hbm>>) target(%dma_start3A_27 : memref<128x64xf32, #tpu.memory_space<vmem>>) offsets(%dma_start3A_30 : memref<128xi32, #tpu.memory_space<vmem>>) semaphore(%arg9 : memref<!tpu.dma_semaphore, #tpu.memory_space<semaphore_mem>>)
    %dma_start3A_34 = arith.constant 3 : i32
    %dma_start3A_35 = arith.constant 384 : i32
    %dma_start3A_36 = arith.constant 0 : i32
    %dma_start3A_37 = tpu.memref_slice %arg6[%dma_start3A_35, %dma_start3A_36] : memref<512x64xf32, #tpu.memory_space<vmem>> -> memref<128x64xf32, #tpu.memory_space<vmem>>
    %dma_start3A_38 = arith.constant 0 : i32
    %dma_start3A_39 = tpu.memref_slice %arg5[%dma_start3A_34, %dma_start3A_38] : memref<200x128xi32, #tpu.memory_space<vmem>> -> memref<1x128xi32, #tpu.memory_space<vmem>>
    %dma_start3A_40 = tpu.memref_squeeze %dma_start3A_39 : memref<1x128xi32, #tpu.memory_space<vmem>> -> memref<128xi32, #tpu.memory_space<vmem>>
    %dma_start3A_41 = arith.constant 0 : i32
    %dma_start3A_42 = arith.constant 0 : i32
    %dma_start3A_43 = tpu.memref_slice %arg3[%dma_start3A_41, %dma_start3A_42] : memref<1000000x64xf32, #tpu.memory_space<hbm>> -> memref<1000000x64xf32, #tpu.memory_space<hbm>>
    tpu.enqueue_indirect_dma source(%dma_start3A_43 : memref<1000000x64xf32, #tpu.memory_space<hbm>>) target(%dma_start3A_37 : memref<128x64xf32, #tpu.memory_space<vmem>>) offsets(%dma_start3A_40 : memref<128xi32, #tpu.memory_space<vmem>>) semaphore(%arg10 : memref<!tpu.dma_semaphore, #tpu.memory_space<semaphore_mem>>)
    %scan3A = arith.constant 0 : i32
    %scan3A_44 = arith.constant 1 : i32
    %scan3A_45 = arith.constant 49 : i32
    %scan3A_46 = arith.addi %scan3A_44, %scan3A_45 : i32
    %scan3A_47 = arith.constant 1 : i32
    scf.for %scan3A_88 = %scan3A_44 to %scan3A_46 step %scan3A_47  : i32 {
      %mul3A_89 = arith.constant 4 : i32
      %mul3A_90 = arith.muli %scan3A_88, %mul3A_89 : i32
      %add3A_91 = arith.constant 0 : i32
      %add3A_92 = arith.addi %mul3A_90, %add3A_91 : i32
      %dma_wait3A_93 = arith.constant 0 : i32
      %dma_wait3A_94 = arith.constant 0 : i32
      %dma_wait3A_95 = tpu.memref_slice %arg6[%dma_wait3A_93, %dma_wait3A_94] : memref<512x64xf32, #tpu.memory_space<vmem>> -> memref<128x64xf32, #tpu.memory_space<vmem>>
      %dma_wait3A_96 = arith.constant 0 : i32
      %dma_wait3A_97 = tpu.memref_slice %arg5[%add3A_92, %dma_wait3A_96] : memref<200x128xi32, #tpu.memory_space<vmem>> -> memref<1x128xi32, #tpu.memory_space<vmem>>
      %dma_wait3A_98 = tpu.memref_squeeze %dma_wait3A_97 : memref<1x128xi32, #tpu.memory_space<vmem>> -> memref<128xi32, #tpu.memory_space<vmem>>
      %dma_wait3A_99 = arith.constant 0 : i32
      %dma_wait3A_100 = arith.constant 0 : i32
      %dma_wait3A_101 = tpu.memref_slice %arg3[%dma_wait3A_99, %dma_wait3A_100] : memref<1000000x64xf32, #tpu.memory_space<hbm>> -> memref<1000000x64xf32, #tpu.memory_space<hbm>>
      tpu.wait_indirect_dma semaphore(%arg7 : memref<!tpu.dma_semaphore, #tpu.memory_space<semaphore_mem>>) src(%dma_wait3A_101 : memref<1000000x64xf32, #tpu.memory_space<hbm>>) dst(%dma_wait3A_95 : memref<128x64xf32, #tpu.memory_space<vmem>>)
      %dma_start3A_102 = arith.constant 0 : i32
      %dma_start3A_103 = arith.constant 0 : i32
      %dma_start3A_104 = tpu.memref_slice %arg6[%dma_start3A_102, %dma_start3A_103] : memref<512x64xf32, #tpu.memory_space<vmem>> -> memref<128x64xf32, #tpu.memory_space<vmem>>
      %dma_start3A_105 = arith.constant 0 : i32
      %dma_start3A_106 = tpu.memref_slice %arg5[%add3A_92, %dma_start3A_105] : memref<200x128xi32, #tpu.memory_space<vmem>> -> memref<1x128xi32, #tpu.memory_space<vmem>>
      %dma_start3A_107 = tpu.memref_squeeze %dma_start3A_106 : memref<1x128xi32, #tpu.memory_space<vmem>> -> memref<128xi32, #tpu.memory_space<vmem>>
      %dma_start3A_108 = arith.constant 0 : i32
      %dma_start3A_109 = arith.constant 0 : i32
      %dma_start3A_110 = tpu.memref_slice %arg3[%dma_start3A_108, %dma_start3A_109] : memref<1000000x64xf32, #tpu.memory_space<hbm>> -> memref<1000000x64xf32, #tpu.memory_space<hbm>>
      tpu.enqueue_indirect_dma source(%dma_start3A_110 : memref<1000000x64xf32, #tpu.memory_space<hbm>>) target(%dma_start3A_104 : memref<128x64xf32, #tpu.memory_space<vmem>>) offsets(%dma_start3A_107 : memref<128xi32, #tpu.memory_space<vmem>>) semaphore(%arg7 : memref<!tpu.dma_semaphore, #tpu.memory_space<semaphore_mem>>) {add = true}
      %mul3A_111 = arith.constant 4 : i32
      %mul3A_112 = arith.muli %scan3A_88, %mul3A_111 : i32
      %add3A_113 = arith.constant 1 : i32
      %add3A_114 = arith.addi %mul3A_112, %add3A_113 : i32
      %dma_wait3A_115 = arith.constant 128 : i32
      %dma_wait3A_116 = arith.constant 0 : i32
      %dma_wait3A_117 = tpu.memref_slice %arg6[%dma_wait3A_115, %dma_wait3A_116] : memref<512x64xf32, #tpu.memory_space<vmem>> -> memref<128x64xf32, #tpu.memory_space<vmem>>
      %dma_wait3A_118 = arith.constant 0 : i32
      %dma_wait3A_119 = tpu.memref_slice %arg5[%add3A_114, %dma_wait3A_118] : memref<200x128xi32, #tpu.memory_space<vmem>> -> memref<1x128xi32, #tpu.memory_space<vmem>>
      %dma_wait3A_120 = tpu.memref_squeeze %dma_wait3A_119 : memref<1x128xi32, #tpu.memory_space<vmem>> -> memref<128xi32, #tpu.memory_space<vmem>>
      %dma_wait3A_121 = arith.constant 0 : i32
      %dma_wait3A_122 = arith.constant 0 : i32
      %dma_wait3A_123 = tpu.memref_slice %arg3[%dma_wait3A_121, %dma_wait3A_122] : memref<1000000x64xf32, #tpu.memory_space<hbm>> -> memref<1000000x64xf32, #tpu.memory_space<hbm>>
      tpu.wait_indirect_dma semaphore(%arg8 : memref<!tpu.dma_semaphore, #tpu.memory_space<semaphore_mem>>) src(%dma_wait3A_123 : memref<1000000x64xf32, #tpu.memory_space<hbm>>) dst(%dma_wait3A_117 : memref<128x64xf32, #tpu.memory_space<vmem>>)
      %dma_start3A_124 = arith.constant 128 : i32
      %dma_start3A_125 = arith.constant 0 : i32
      %dma_start3A_126 = tpu.memref_slice %arg6[%dma_start3A_124, %dma_start3A_125] : memref<512x64xf32, #tpu.memory_space<vmem>> -> memref<128x64xf32, #tpu.memory_space<vmem>>
      %dma_start3A_127 = arith.constant 0 : i32
      %dma_start3A_128 = tpu.memref_slice %arg5[%add3A_114, %dma_start3A_127] : memref<200x128xi32, #tpu.memory_space<vmem>> -> memref<1x128xi32, #tpu.memory_space<vmem>>
      %dma_start3A_129 = tpu.memref_squeeze %dma_start3A_128 : memref<1x128xi32, #tpu.memory_space<vmem>> -> memref<128xi32, #tpu.memory_space<vmem>>
      %dma_start3A_130 = arith.constant 0 : i32
      %dma_start3A_131 = arith.constant 0 : i32
      %dma_start3A_132 = tpu.memref_slice %arg3[%dma_start3A_130, %dma_start3A_131] : memref<1000000x64xf32, #tpu.memory_space<hbm>> -> memref<1000000x64xf32, #tpu.memory_space<hbm>>
      tpu.enqueue_indirect_dma source(%dma_start3A_132 : memref<1000000x64xf32, #tpu.memory_space<hbm>>) target(%dma_start3A_126 : memref<128x64xf32, #tpu.memory_space<vmem>>) offsets(%dma_start3A_129 : memref<128xi32, #tpu.memory_space<vmem>>) semaphore(%arg8 : memref<!tpu.dma_semaphore, #tpu.memory_space<semaphore_mem>>) {add = true}
      %mul3A_133 = arith.constant 4 : i32
      %mul3A_134 = arith.muli %scan3A_88, %mul3A_133 : i32
      %add3A_135 = arith.constant 2 : i32
      %add3A_136 = arith.addi %mul3A_134, %add3A_135 : i32
      %dma_wait3A_137 = arith.constant 256 : i32
      %dma_wait3A_138 = arith.constant 0 : i32
      %dma_wait3A_139 = tpu.memref_slice %arg6[%dma_wait3A_137, %dma_wait3A_138] : memref<512x64xf32, #tpu.memory_space<vmem>> -> memref<128x64xf32, #tpu.memory_space<vmem>>
      %dma_wait3A_140 = arith.constant 0 : i32
      %dma_wait3A_141 = tpu.memref_slice %arg5[%add3A_136, %dma_wait3A_140] : memref<200x128xi32, #tpu.memory_space<vmem>> -> memref<1x128xi32, #tpu.memory_space<vmem>>
      %dma_wait3A_142 = tpu.memref_squeeze %dma_wait3A_141 : memref<1x128xi32, #tpu.memory_space<vmem>> -> memref<128xi32, #tpu.memory_space<vmem>>
      %dma_wait3A_143 = arith.constant 0 : i32
      %dma_wait3A_144 = arith.constant 0 : i32
      %dma_wait3A_145 = tpu.memref_slice %arg3[%dma_wait3A_143, %dma_wait3A_144] : memref<1000000x64xf32, #tpu.memory_space<hbm>> -> memref<1000000x64xf32, #tpu.memory_space<hbm>>
      tpu.wait_indirect_dma semaphore(%arg9 : memref<!tpu.dma_semaphore, #tpu.memory_space<semaphore_mem>>) src(%dma_wait3A_145 : memref<1000000x64xf32, #tpu.memory_space<hbm>>) dst(%dma_wait3A_139 : memref<128x64xf32, #tpu.memory_space<vmem>>)
      %dma_start3A_146 = arith.constant 256 : i32
      %dma_start3A_147 = arith.constant 0 : i32
      %dma_start3A_148 = tpu.memref_slice %arg6[%dma_start3A_146, %dma_start3A_147] : memref<512x64xf32, #tpu.memory_space<vmem>> -> memref<128x64xf32, #tpu.memory_space<vmem>>
      %dma_start3A_149 = arith.constant 0 : i32
      %dma_start3A_150 = tpu.memref_slice %arg5[%add3A_136, %dma_start3A_149] : memref<200x128xi32, #tpu.memory_space<vmem>> -> memref<1x128xi32, #tpu.memory_space<vmem>>
      %dma_start3A_151 = tpu.memref_squeeze %dma_start3A_150 : memref<1x128xi32, #tpu.memory_space<vmem>> -> memref<128xi32, #tpu.memory_space<vmem>>
      %dma_start3A_152 = arith.constant 0 : i32
      %dma_start3A_153 = arith.constant 0 : i32
      %dma_start3A_154 = tpu.memref_slice %arg3[%dma_start3A_152, %dma_start3A_153] : memref<1000000x64xf32, #tpu.memory_space<hbm>> -> memref<1000000x64xf32, #tpu.memory_space<hbm>>
      tpu.enqueue_indirect_dma source(%dma_start3A_154 : memref<1000000x64xf32, #tpu.memory_space<hbm>>) target(%dma_start3A_148 : memref<128x64xf32, #tpu.memory_space<vmem>>) offsets(%dma_start3A_151 : memref<128xi32, #tpu.memory_space<vmem>>) semaphore(%arg9 : memref<!tpu.dma_semaphore, #tpu.memory_space<semaphore_mem>>) {add = true}
      %mul3A_155 = arith.constant 4 : i32
      %mul3A_156 = arith.muli %scan3A_88, %mul3A_155 : i32
      %add3A_157 = arith.constant 3 : i32
      %add3A_158 = arith.addi %mul3A_156, %add3A_157 : i32
      %dma_wait3A_159 = arith.constant 384 : i32
      %dma_wait3A_160 = arith.constant 0 : i32
      %dma_wait3A_161 = tpu.memref_slice %arg6[%dma_wait3A_159, %dma_wait3A_160] : memref<512x64xf32, #tpu.memory_space<vmem>> -> memref<128x64xf32, #tpu.memory_space<vmem>>
      %dma_wait3A_162 = arith.constant 0 : i32
      %dma_wait3A_163 = tpu.memref_slice %arg5[%add3A_158, %dma_wait3A_162] : memref<200x128xi32, #tpu.memory_space<vmem>> -> memref<1x128xi32, #tpu.memory_space<vmem>>
      %dma_wait3A_164 = tpu.memref_squeeze %dma_wait3A_163 : memref<1x128xi32, #tpu.memory_space<vmem>> -> memref<128xi32, #tpu.memory_space<vmem>>
      %dma_wait3A_165 = arith.constant 0 : i32
      %dma_wait3A_166 = arith.constant 0 : i32
      %dma_wait3A_167 = tpu.memref_slice %arg3[%dma_wait3A_165, %dma_wait3A_166] : memref<1000000x64xf32, #tpu.memory_space<hbm>> -> memref<1000000x64xf32, #tpu.memory_space<hbm>>
      tpu.wait_indirect_dma semaphore(%arg10 : memref<!tpu.dma_semaphore, #tpu.memory_space<semaphore_mem>>) src(%dma_wait3A_167 : memref<1000000x64xf32, #tpu.memory_space<hbm>>) dst(%dma_wait3A_161 : memref<128x64xf32, #tpu.memory_space<vmem>>)
      %dma_start3A_168 = arith.constant 384 : i32
      %dma_start3A_169 = arith.constant 0 : i32
      %dma_start3A_170 = tpu.memref_slice %arg6[%dma_start3A_168, %dma_start3A_169] : memref<512x64xf32, #tpu.memory_space<vmem>> -> memref<128x64xf32, #tpu.memory_space<vmem>>
      %dma_start3A_171 = arith.constant 0 : i32
      %dma_start3A_172 = tpu.memref_slice %arg5[%add3A_158, %dma_start3A_171] : memref<200x128xi32, #tpu.memory_space<vmem>> -> memref<1x128xi32, #tpu.memory_space<vmem>>
      %dma_start3A_173 = tpu.memref_squeeze %dma_start3A_172 : memref<1x128xi32, #tpu.memory_space<vmem>> -> memref<128xi32, #tpu.memory_space<vmem>>
      %dma_start3A_174 = arith.constant 0 : i32
      %dma_start3A_175 = arith.constant 0 : i32
      %dma_start3A_176 = tpu.memref_slice %arg3[%dma_start3A_174, %dma_start3A_175] : memref<1000000x64xf32, #tpu.memory_space<hbm>> -> memref<1000000x64xf32, #tpu.memory_space<hbm>>
      tpu.enqueue_indirect_dma source(%dma_start3A_176 : memref<1000000x64xf32, #tpu.memory_space<hbm>>) target(%dma_start3A_170 : memref<128x64xf32, #tpu.memory_space<vmem>>) offsets(%dma_start3A_173 : memref<128xi32, #tpu.memory_space<vmem>>) semaphore(%arg10 : memref<!tpu.dma_semaphore, #tpu.memory_space<semaphore_mem>>) {add = true}
    }
    %scan3A_48 = arith.constant 49 : i32
    %dma_wait3A = arith.constant 196 : i32
    %dma_wait3A_49 = arith.constant 0 : i32
    %dma_wait3A_50 = arith.constant 0 : i32
    %dma_wait3A_51 = tpu.memref_slice %arg6[%dma_wait3A_49, %dma_wait3A_50] : memref<512x64xf32, #tpu.memory_space<vmem>> -> memref<128x64xf32, #tpu.memory_space<vmem>>
    %dma_wait3A_52 = arith.constant 0 : i32
    %dma_wait3A_53 = tpu.memref_slice %arg5[%dma_wait3A, %dma_wait3A_52] : memref<200x128xi32, #tpu.memory_space<vmem>> -> memref<1x128xi32, #tpu.memory_space<vmem>>
    %dma_wait3A_54 = tpu.memref_squeeze %dma_wait3A_53 : memref<1x128xi32, #tpu.memory_space<vmem>> -> memref<128xi32, #tpu.memory_space<vmem>>
    %dma_wait3A_55 = arith.constant 0 : i32
    %dma_wait3A_56 = arith.constant 0 : i32
    %dma_wait3A_57 = tpu.memref_slice %arg3[%dma_wait3A_55, %dma_wait3A_56] : memref<1000000x64xf32, #tpu.memory_space<hbm>> -> memref<1000000x64xf32, #tpu.memory_space<hbm>>
    tpu.wait_indirect_dma semaphore(%arg7 : memref<!tpu.dma_semaphore, #tpu.memory_space<semaphore_mem>>) src(%dma_wait3A_57 : memref<1000000x64xf32, #tpu.memory_space<hbm>>) dst(%dma_wait3A_51 : memref<128x64xf32, #tpu.memory_space<vmem>>)
    %dma_wait3A_58 = arith.constant 197 : i32
    %dma_wait3A_59 = arith.constant 128 : i32
    %dma_wait3A_60 = arith.constant 0 : i32
    %dma_wait3A_61 = tpu.memref_slice %arg6[%dma_wait3A_59, %dma_wait3A_60] : memref<512x64xf32, #tpu.memory_space<vmem>> -> memref<128x64xf32, #tpu.memory_space<vmem>>
    %dma_wait3A_62 = arith.constant 0 : i32
    %dma_wait3A_63 = tpu.memref_slice %arg5[%dma_wait3A_58, %dma_wait3A_62] : memref<200x128xi32, #tpu.memory_space<vmem>> -> memref<1x128xi32, #tpu.memory_space<vmem>>
    %dma_wait3A_64 = tpu.memref_squeeze %dma_wait3A_63 : memref<1x128xi32, #tpu.memory_space<vmem>> -> memref<128xi32, #tpu.memory_space<vmem>>
    %dma_wait3A_65 = arith.constant 0 : i32
    %dma_wait3A_66 = arith.constant 0 : i32
    %dma_wait3A_67 = tpu.memref_slice %arg3[%dma_wait3A_65, %dma_wait3A_66] : memref<1000000x64xf32, #tpu.memory_space<hbm>> -> memref<1000000x64xf32, #tpu.memory_space<hbm>>
    tpu.wait_indirect_dma semaphore(%arg8 : memref<!tpu.dma_semaphore, #tpu.memory_space<semaphore_mem>>) src(%dma_wait3A_67 : memref<1000000x64xf32, #tpu.memory_space<hbm>>) dst(%dma_wait3A_61 : memref<128x64xf32, #tpu.memory_space<vmem>>)
    %dma_wait3A_68 = arith.constant 198 : i32
    %dma_wait3A_69 = arith.constant 256 : i32
    %dma_wait3A_70 = arith.constant 0 : i32
    %dma_wait3A_71 = tpu.memref_slice %arg6[%dma_wait3A_69, %dma_wait3A_70] : memref<512x64xf32, #tpu.memory_space<vmem>> -> memref<128x64xf32, #tpu.memory_space<vmem>>
    %dma_wait3A_72 = arith.constant 0 : i32
    %dma_wait3A_73 = tpu.memref_slice %arg5[%dma_wait3A_68, %dma_wait3A_72] : memref<200x128xi32, #tpu.memory_space<vmem>> -> memref<1x128xi32, #tpu.memory_space<vmem>>
    %dma_wait3A_74 = tpu.memref_squeeze %dma_wait3A_73 : memref<1x128xi32, #tpu.memory_space<vmem>> -> memref<128xi32, #tpu.memory_space<vmem>>
    %dma_wait3A_75 = arith.constant 0 : i32
    %dma_wait3A_76 = arith.constant 0 : i32
    %dma_wait3A_77 = tpu.memref_slice %arg3[%dma_wait3A_75, %dma_wait3A_76] : memref<1000000x64xf32, #tpu.memory_space<hbm>> -> memref<1000000x64xf32, #tpu.memory_space<hbm>>
    tpu.wait_indirect_dma semaphore(%arg9 : memref<!tpu.dma_semaphore, #tpu.memory_space<semaphore_mem>>) src(%dma_wait3A_77 : memref<1000000x64xf32, #tpu.memory_space<hbm>>) dst(%dma_wait3A_71 : memref<128x64xf32, #tpu.memory_space<vmem>>)
    %dma_wait3A_78 = arith.constant 199 : i32
    %dma_wait3A_79 = arith.constant 384 : i32
    %dma_wait3A_80 = arith.constant 0 : i32
    %dma_wait3A_81 = tpu.memref_slice %arg6[%dma_wait3A_79, %dma_wait3A_80] : memref<512x64xf32, #tpu.memory_space<vmem>> -> memref<128x64xf32, #tpu.memory_space<vmem>>
    %dma_wait3A_82 = arith.constant 0 : i32
    %dma_wait3A_83 = tpu.memref_slice %arg5[%dma_wait3A_78, %dma_wait3A_82] : memref<200x128xi32, #tpu.memory_space<vmem>> -> memref<1x128xi32, #tpu.memory_space<vmem>>
    %dma_wait3A_84 = tpu.memref_squeeze %dma_wait3A_83 : memref<1x128xi32, #tpu.memory_space<vmem>> -> memref<128xi32, #tpu.memory_space<vmem>>
    %dma_wait3A_85 = arith.constant 0 : i32
    %dma_wait3A_86 = arith.constant 0 : i32
    %dma_wait3A_87 = tpu.memref_slice %arg3[%dma_wait3A_85, %dma_wait3A_86] : memref<1000000x64xf32, #tpu.memory_space<hbm>> -> memref<1000000x64xf32, #tpu.memory_space<hbm>>
    tpu.wait_indirect_dma semaphore(%arg10 : memref<!tpu.dma_semaphore, #tpu.memory_space<semaphore_mem>>) src(%dma_wait3A_87 : memref<1000000x64xf32, #tpu.memory_space<hbm>>) dst(%dma_wait3A_81 : memref<128x64xf32, #tpu.memory_space<vmem>>)
    "tpu.region"() ({
      %run_scoped3A = tpu.sem_alloc : memref<!tpu.dma_semaphore, #tpu.memory_space<semaphore_mem>>
      %dma_start3A_88 = arith.constant 0 : i32
      %dma_start3A_89 = tpu.memref_slice %arg4[%mul3A_2, %dma_start3A_88] : memref<16384x128xf32, #tpu.memory_space<hbm>> -> memref<512x64xf32, #tpu.memory_space<hbm>>
      %dma_start3A_90 = arith.constant 0 : i32
      %dma_start3A_91 = tpu.memref_slice %arg4[%mul3A_2, %dma_start3A_90] : memref<16384x128xf32, #tpu.memory_space<hbm>> -> memref<512x64xf32, #tpu.memory_space<hbm>>
      tpu.enqueue_dma source(%arg6 : memref<512x64xf32, #tpu.memory_space<vmem>>) target(%dma_start3A_91 : memref<512x64xf32, #tpu.memory_space<hbm>>) target_semaphore(%run_scoped3A : memref<!tpu.dma_semaphore, #tpu.memory_space<semaphore_mem>>)
      %dma_wait3A_92 = arith.constant 0 : i32
      %dma_wait3A_93 = tpu.memref_slice %arg4[%mul3A_2, %dma_wait3A_92] : memref<16384x128xf32, #tpu.memory_space<hbm>> -> memref<512x64xf32, #tpu.memory_space<hbm>>
      %dma_wait3A_94 = arith.constant 0 : i32
      %dma_wait3A_95 = tpu.memref_slice %arg4[%mul3A_2, %dma_wait3A_94] : memref<16384x128xf32, #tpu.memory_space<hbm>> -> memref<512x64xf32, #tpu.memory_space<hbm>>
      tpu.wait_dma2 semaphore(%run_scoped3A : memref<!tpu.dma_semaphore, #tpu.memory_space<semaphore_mem>>) src(%arg6 : memref<512x64xf32, #tpu.memory_space<vmem>>) dst(%dma_wait3A_95 : memref<512x64xf32, #tpu.memory_space<hbm>>)
      tpu.yield
    }) : () -> ()
    return
  }
}

module attributes {stable_mosaic.version = 14 : i64} {
  func.func @_idxprep_body(%arg0: i32, %arg1: memref<512x50xi32, #tpu.memory_space<vmem>>, %arg2: memref<200x128xi32, #tpu.memory_space<vmem>>) attributes {dimension_semantics = [#tpu.dimension_semantics<arbitrary>], iteration_bounds = array<i64: 32>, scalar_prefetch = 0 : i64, scratch_operands = 0 : i64, tpu.core_type = #tpu.core_type<tc>, window_params = [{transform_indices = @transform_0, window_bounds = array<i64: 512, 50>}, {transform_indices = @transform_1, window_bounds = array<i64: 200, 128>}]} {
    %get3A = arith.constant 0 : index
    %get3A_0 = arith.constant 0 : index
    %get3A_1 = vector.load %arg1[%get3A, %get3A_0] : memref<512x50xi32, #tpu.memory_space<vmem>>, vector<512x50xi32>
    %transpose3A = tpu.transpose %get3A_1, [1, 0] : vector<512x50xi32> -> vector<50x512xi32>
    %reshape3A = vector.shape_cast %transpose3A : vector<50x512xi32> to vector<200x128xi32>
    %swap3A = arith.constant 0 : index
    %swap3A_2 = arith.constant 0 : index
    %swap3A_3 = vector.load %arg2[%swap3A, %swap3A_2] : memref<200x128xi32, #tpu.memory_space<vmem>>, vector<200x128xi32>
    tpu.vector_store %arg2[%swap3A, %swap3A_2], %reshape3A {strides = array<i32>} : memref<200x128xi32, #tpu.memory_space<vmem>>, vector<200x128xi32>,
    return
  }
  func.func @transform_0(%arg0: i32) -> (i32, i32) {
    %c0_i32 = arith.constant 0 : i32
    %c0_i32_0 = arith.constant 0 : i32
    return %arg0, %c0_i32 : i32, i32
  }
  func.func @transform_1(%arg0: i32) -> (i32, i32) {
    %c0_i32 = arith.constant 0 : i32
    %c0_i32_0 = arith.constant 0 : i32
    return %arg0, %c0_i32 : i32, i32
  }
}

module attributes {stable_mosaic.version = 14 : i64} {
  func.func @_linear_body(%arg0: i32, %arg1: memref<2048x128xf32, #tpu.memory_space<vmem>>, %arg2: memref<65x2xf32, #tpu.memory_space<vmem>>, %arg3: memref<2048x2xf32, #tpu.memory_space<vmem>>) attributes {dimension_semantics = [#tpu.dimension_semantics<arbitrary>], iteration_bounds = array<i64: 8>, scalar_prefetch = 0 : i64, scratch_operands = 0 : i64, tpu.core_type = #tpu.core_type<tc>, window_params = [{transform_indices = @transform_0, window_bounds = array<i64: 2048, 128>}, {pipeline_mode = #tpu.pipeline_mode<synchronous>, transform_indices = @transform_1, window_bounds = array<i64: 65, 2>}, {transform_indices = @transform_2, window_bounds = array<i64: 2048, 2>}]} {
    %get3A = arith.constant 0 : index
    %get3A_0 = arith.constant 0 : index
    %get3A_1 = vector.load %arg1[%get3A, %get3A_0] : memref<2048x128xf32, #tpu.memory_space<vmem>>, vector<2048x128xf32>
    %get3A_2 = arith.constant 0 : index
    %get3A_3 = arith.constant 0 : index
    %get3A_4 = vector.load %arg2[%get3A_2, %get3A_3] : memref<65x2xf32, #tpu.memory_space<vmem>>, vector<65x2xf32>
    %slice3A = vector.extract_strided_slice %get3A_1 {offsets = [0, 0], sizes = [2048, 64], strides = [1, 1]} : vector<2048x128xf32> to vector<2048x64xf32>
    %slice3A_5 = vector.extract_strided_slice %get3A_4 {offsets = [0, 0], sizes = [64, 2], strides = [1, 1]} : vector<65x2xf32> to vector<64x2xf32>
    %dot_general3A = arith.constant dense<0.000000e+00> : vector<2048x2xf32>
    %dot_general3A_6 = tpu.matmul %slice3A, %slice3A_5, %dot_general3A {dimension_numbers = #tpu.dot_dimension_numbers<[1], [0], [0], [1], [0, 0, 1, 1], [], []>, transpose_lhs_hint = false} : vector<2048x64xf32>, vector<64x2xf32>, vector<2048x2xf32> -> vector<2048x2xf32>
    %mul3A = arith.constant 2.000000e-02 : f32
    %mul3A_7 = vector.broadcast %mul3A : f32 to vector<2048x2xf32>
    %mul3A_8 = arith.mulf %dot_general3A_6, %mul3A_7 : vector<2048x2xf32>
    %slice3A_9 = vector.extract_strided_slice %get3A_4 {offsets = [64, 0], sizes = [1, 2], strides = [1, 1]} : vector<65x2xf32> to vector<1x2xf32>
    %squeeze3A = vector.shape_cast %slice3A_9 : vector<1x2xf32> to vector<2xf32>
    %broadcast_in_dim3A = vector.shape_cast %squeeze3A : vector<2xf32> to vector<1x2xf32>
    %add3A = vector.broadcast %broadcast_in_dim3A : vector<1x2xf32> to vector<2048x2xf32>
    %add3A_10 = arith.addf %mul3A_8, %add3A : vector<2048x2xf32>
    %swap3A = arith.constant 0 : index
    %swap3A_11 = arith.constant 0 : index
    %swap3A_12 = vector.load %arg3[%swap3A, %swap3A_11] : memref<2048x2xf32, #tpu.memory_space<vmem>>, vector<2048x2xf32>
    tpu.vector_store %arg3[%swap3A, %swap3A_11], %add3A_10 {strides = array<i32>} : memref<2048x2xf32, #tpu.memory_space<vmem>>, vector<2048x2xf32>,
    return
  }
  func.func @transform_0(%arg0: i32) -> (i32, i32) {
    %c0_i32 = arith.constant 0 : i32
    %c0_i32_0 = arith.constant 0 : i32
    return %arg0, %c0_i32 : i32, i32
  }
  func.func @transform_1(%arg0: i32) -> (i32, i32) {
    %c0_i32 = arith.constant 0 : i32
    %c0_i32_0 = arith.constant 0 : i32
    %c0_i32_1 = arith.constant 0 : i32
    return %c0_i32, %c0_i32_0 : i32, i32
  }
  func.func @transform_2(%arg0: i32) -> (i32, i32) {
    %c0_i32 = arith.constant 0 : i32
    %c0_i32_0 = arith.constant 0 : i32
    return %arg0, %c0_i32 : i32, i32
  }
}

</mosaic_0001>

<sc_bundles>
// kernel: _run.5.cloned.1.call-start
scs
__scs_entry_jumppad:
0x0: {  	(pc) =	sbr.rel $0x88, $3  }
0x1: {  	(tag) =	ssettag $0x0;
	lr =	simm.s32 $0x1  }
0x2: {  	[smem:$0x3F9E] =	sst lr;
	_ =	strace $0xD0000000  }
0x3: {  	_ = 	snop  }
0x4: {  	_ = 	snop  }
0x5: {  	_ = 	snop  }
0x6: {  	_ = 	snop  }
0x7: {  	_ = 	snop  }
__scs_overlays_trampoline_lowered:
0x8: {  	[smem:$0x3FAD] =	sst s0  }
0x9: {  	[smem:$0x3FAE] =	sst s1  }
0xa: {  	[smem:$0x3FAF] =	sst s2  }
0xb: {  	[smem:$0x3FB0] =	sst s3  }
0xc: {  	[smem:$0x3FB1] =	sst s4  }
0xd: {  	[smem:$0x3FB2] =	sst s5  }
0xe: {  	[smem:$0x3FB3] =	sst s6  }
0xf: {  	[smem:$0x3FB4] =	sst s7  }
0x10: {  	[smem:$0x3FB5] =	sst s8  }
0x11: {  	[smem:$0x3FB6] =	sst s9;
	s0 =	simm.s32 @!p0 $0x0  }
0x12: {  	s1 =	sld [smem:$0x3F9C];
	s0 =	simm.s32 @p0 $0x1  }
0x13: {  	[smem:$0x3FB7] =	sst s0;
	s0 =	simm.s32 @!p1 $0x0  }
0x14: {  	s2 =	sld [smem:$0x3F9B];
	s0 =	simm.s32 @p1 $0x1  }
0x15: {  	[smem:$0x3FB8] =	sst s0;
	s0 =	simm.s32 @!p2 $0x0  }
0x16: {  	s3 =	sld [smem:$0x3FDB];
	s0 =	simm.s32 @p2 $0x1  }
0x17: {  	s4 =	simm.s32 $0x1BF5;
	[smem:$0x3FBA] =	sst s0  }
0x18: {  	s0 =	sld [smem:$0x3F9D];
	_ =	swait.ge [sflag:s4], $0x0  }
0x19: {  	s7 =	sld [smem:$0x3F9E]  }
0x1a: {  	s8 =	sadd.s32 $0xFFFFE003, lr  }
0x1b: {  	s9 =	sadd.s32 $0xFFFFFEF7, lr;
	s5 =	simm.s32 $0xFFFFFFFF;
	p2 =	slt.u32 s8, $0xFFFFF086  }
0x1c: {  	p1 =	slt.u32 s9, $0xF7A;
	s5 =	simm.s32 @!p2 $0x0  }
0x1d: {  	s5 =	simm.s32 @p1 $0x1;
	p0 =	seq.s32 s7, s2  }
0x1e: {  	s7 =	smul.u32 @!p0 $0xF7A, s2;
	p2 =	seq.s32 @!p0 s5, $0x0  }
0x1f: {  	s9 =	smul.u32 $0xF7A, s1;
	s8 =	simm.s32 @!p0 $0x1BF5;
	p2 =	por !p2, p0  }
0x20: {  	[sflag:s8] =	ssyncset.s32 @!p0 $0xFFFFF086;
	s6 =	sadd.s32 @!p0 s3, s7;
	s7 =	simm.s32 @!p0 $0x108  }
0x21: {  	s3 =	sadd.s32 s3, s9;
	s6 =	sadd.s32 @!p0 $0x88, s6;
	s7 =	simm.s32 @p2 $0x1082  }
0x22: {  	[simem:s7], [sflag:s8] =	dma.local @!p0 [hbm:s6], $0xF7A  }
0x23: {  	s9 =	sor.u32 $0xD0000000, s2;
	s6 =	simm.s32 $0x108;
	_ =	swait.ge @!p0 [sflag:s8], $0x0  }
0x24: {  	s3 =	sadd.s32 $0x88, s3;
	s6 =	simm.s32 @!p1 $0x1082;
	[sflag:s4] =	ssyncset.s32 $0xFFFFF086  }
0x25: {  	[simem:s6], [sflag:s4] =	dma.local [hbm:s3], $0xF7A  }
0x26: {  	[smem:$0x3F9E] =	sst s1;
	(tag) =	ssettag s2;
	_ =	strace s9  }
0x27: {  	s1 =	sld [smem:$0x3FAE]  }
0x28: {  	s2 =	sld [smem:$0x3FAF]  }
0x29: {  	s4 =	sld [smem:$0x3FB1]  }
0x2a: {  	p0 =	seq.s32 s5, $0x0;
	s5 =	sld [smem:$0x3FB2]  }
0x2b: {  	s6 =	sld [smem:$0x3FB3]  }
0x2c: {  	s7 =	sld [smem:$0x3FB4]  }
0x2d: {  	s3 =	simm.s32 $0x108;
	s8 =	sld [smem:$0x3FB5]  }
0x2e: {  	s3 =	simm.s32 @!p0 $0x1082;
	s9 =	sld [smem:$0x3FB6]  }
0x2f: {  	lr =	sadd.s32 s0, s3;
	s0 =	sld [smem:$0x3FAD]  }
0x30: {  	s3 =	sld [smem:$0x3FB0]  }
0x31: {  	[smem:$0x3FB9] =	sst s10  }
0x32: {  	s10 =	sld [smem:$0x3FB7];
	_ =	sdelay $0x3  }
0x33: {  	p0 =	seq.s32 s10, $0x1;
	s10 =	sld [smem:$0x3FB9];
	_ =	sdelay $0x3  }
0x34: {  	[smem:$0x3FB9] =	sst s10  }
0x35: {  	s10 =	sld [smem:$0x3FB8];
	_ =	sdelay $0x3  }
0x36: {  	p1 =	seq.s32 s10, $0x1;
	s10 =	sld [smem:$0x3FB9];
	_ =	sdelay $0x3  }
0x37: {  	[smem:$0x3FB9] =	sst s10  }
0x38: {  	s10 =	sld [smem:$0x3FBA]  }
0x39: {  	_ = 	snop;
	(pc) =	sbr.ind lr, $3  }
0x3a: {  	_ = 	snop  }
0x3b: {  	_ = 	snop  }
0x3c: {  	p2 =	seq.s32 s10, $0x1;
	s10 =	sld [smem:$0x3FB9]  }
0x3d: {  	_ =	shalt  }
0x3e: {  	_ =	shalt  }
0x3f: {  	_ =	shalt  }
0x40: {  	_ =	shalt  }
0x41: {  	_ =	shalt  }
0x42: {  	_ =	shalt  }
0x43: {  	_ =	shalt  }
0x44: {  	_ =	shalt  }
0x45: {  	_ =	shalt  }
0x46: {  	_ =	shalt  }
0x47: {  	_ =	shalt  }
0x48: {  	_ =	shalt  }
0x49: {  	_ =	shalt  }
0x4a: {  	_ =	shalt  }
0x4b: {  	_ =	shalt  }
0x4c: {  	_ =	shalt  }
0x4d: {  	_ =	shalt  }
0x4e: {  	_ =	shalt  }
0x4f: {  	_ =	shalt  }
0x50: {  	_ =	shalt  }
0x51: {  	_ =	shalt  }
0x52: {  	_ =	shalt  }
0x53: {  	_ =	shalt  }
0x54: {  	_ =	shalt  }
0x55: {  	_ =	shalt  }
0x56: {  	_ =	shalt  }
0x57: {  	_ =	shalt  }
0x58: {  	_ =	shalt  }
0x59: {  	_ =	shalt  }
0x5a: {  	_ =	shalt  }
0x5b: {  	_ =	shalt  }
0x5c: {  	_ =	shalt  }
0x5d: {  	_ =	shalt  }
0x5e: {  	_ =	shalt  }
0x5f: {  	_ =	shalt  }
0x60: {  	_ =	shalt  }
0x61: {  	_ =	shalt  }
0x62: {  	_ =	shalt  }
0x63: {  	_ =	shalt  }
0x64: {  	_ =	shalt  }
0x65: {  	_ =	shalt  }
0x66: {  	_ =	shalt  }
0x67: {  	_ =	shalt  }
0x68: {  	_ =	shalt  }
0x69: {  	_ =	shalt  }
0x6a: {  	_ =	shalt  }
0x6b: {  	_ =	shalt  }
0x6c: {  	_ =	shalt  }
0x6d: {  	_ =	shalt  }
0x6e: {  	_ =	shalt  }
0x6f: {  	_ =	shalt  }
0x70: {  	_ =	shalt  }
0x71: {  	_ =	shalt  }
0x72: {  	_ =	shalt  }
0x73: {  	_ =	shalt  }
0x74: {  	_ =	shalt  }
0x75: {  	_ =	shalt  }
0x76: {  	_ =	shalt  }
0x77: {  	_ =	shalt  }
0x78: {  	_ =	shalt  }
0x79: {  	_ =	shalt  }
0x7a: {  	_ =	shalt  }
0x7b: {  	_ =	shalt  }
0x7c: {  	_ =	shalt  }
0x7d: {  	_ =	shalt  }
0x7e: {  	_ =	shalt  }
0x7f: {  	_ =	shalt  }
0x80: {  	_ =	shalt  }
0x81: {  	_ =	shalt  }
0x82: {  	_ =	shalt  }
0x83: {  	_ =	shalt  }
0x84: {  	_ =	shalt  }
0x85: {  	_ =	shalt  }
0x86: {  	_ =	shalt  }
0x87: {  	_ =	shalt  }
.Lfunc_end0:
.L_simem_size_0:
called_computation_lowered:
.L_overlay_start_0:
0x88: {  	s2 =	sld [smem:$0x3FD9]  }
0x89: {  	s3 =	sld [smem:$0x3FFE];
	_ =	sdelay $0x1  }
0x8a: {  	s1 =	srdreg.scid  }
0x8b: {  	s0 =	sand.u32 $0x1, s1  }
0x8c: {  	s16 =	sshll.u32 s0, $0xA;
	s2 =	sadd.s32 s3, s2  }
0x8d: {  	s2 =	sadd.s32 s2, s16  }
0x8e: {  	[smem:$0x3FC5] =	sst s2  }
0x8f: {  	_ = 	snop  }
0x90: {  	(tm) =	ssettm $0x1  }
0x91: {  	s17 =	sld [smem:$0x3FFB];
	_ =	sdelay $0x3  }
0x92: {  	_ =	strace s17  }
0x93: {  	s2 =	sld [smem:$0x3FFC];
	_ =	sdelay $0x3  }
0x94: {  	_ =	strace s2  }
0x95: {  	s2 =	sld [smem:$0x3FFD];
	_ =	sdelay $0x3  }
0x96: {  	_ =	strace s2  }
0x97: {  	_ =	strace $0x8FFFFFFF  }
0x98: {  	s18 =	sld [smem:$0x3FDB];
	_ =	sdelay $0x1  }
0x99: {  	s19 =	simm.s32 $_scs_section_size  }
0x9a: {  	s4 =	simm.s32 $_size__tile_overlayer_lowered;
	s5 =	simm.s32 $_tile_overlayer_lowered  }
0x9b: {  	s22 =	simm.s32 $0x1BFF;
	s21 =	sshll.u32 s5, $0x1;
	s2 =	sadd.s32 s19, s18  }
0x9c: {  	s6 =	simm.s32 $0x0;
	s20 =	sshll.u32 s4, $0x1;
	s4 =	sadd.s32 s21, s2  }
0x9d: {  	[timem:s6], [sflag:s22] =	dma.local [hbm:s4], s20  }
0x9e: {  	_ =	swait.ge [sflag:s22], s20  }
0x9f: {  	s3 =	ssub.s32 $0x0, s20;
	[sflag:s22] =	ssyncset.done $0x0  }
0xa0: {  	[sflag:s22] =	ssyncadd.s32 s3;
	_ =	sdelay $0x1  }
0xa1: {  	s23 =	simm.s32 $0x1B8B  }
0xa2: {  	_ =	swait.ge [sflag:s23], $0x1  }
0xa3: {  	[sflag:s23] =	ssyncset.done $0x0  }
0xa4: {  	s25 =	simm.s32 $0x1B8E;
	s24 =	sld [smem:$0x3FFE];
	[sflag:s23] =	ssyncadd.s32 $0xFFFFFFFF  }
0xa5: {  	s26 =	simm.s32 $execute0_lowered;
	[smem:$0x3FD2] =	sst s25  }
0xa6: {  	s4 =	sshll.u32 s26, $0x1;
	_ =	strace $0x80000046;
	[dreg:$0x1] =	wrdreg $0xFFFFFFFF  }
0xa7: {  	s28 =	simm.s32 $_size_execute0_lowered;
	s2 =	sadd.s32 s2, s4;
	[dreg:$0x0] =	wrdreg $0x0  }
0xa8: {  	s4 =	sshll.u32 s28, $0x1;
	[dreg:$0x2] =	wrdreg s2  }
0xa9: {  	[dreg:$0x3] =	wrdreg s4  }
0xaa: {  	[dreg:$0x4] =	wrdreg $0xC0  }
0xab: {  	_ =	task [dreg:s6], $0x5FFFF  }
0xac: {  	[dreg:$0x1] =	wrdreg $0xFFFFFFFF  }
0xad: {  	[dreg:$0x0] =	wrdreg $0x60  }
0xae: {  	[dreg:$0x2] =	wrdreg s24  }
0xaf: {  	[dreg:$0x3] =	wrdreg $0x9  }
0xb0: {  	_ =	task.clear_ibuf [dreg:s6], $0x4FFFF;
	_ =	strace $0x90000046  }
0xb1: {  	s29 =	simm.s32 $0x9;
	_ =	strace $0x80000048  }
0xb2: {  	_ =	swait.ge [sflag:s29], $0x1  }
0xb3: {  	[sflag:s29] =	ssyncadd.s32 $0xFFFFFFFF  }
0xb4: {  	_ =	strace $0x90000048  }
0xb5: {  	_ =	sfence  }
0xb6: {  	s30 =	sld [smem:$0x0];
	_ =	sdelay $0x2  }
0xb7: {  	s31 =	sshll.u32 s1, $0xD;
	s1 =	sshrl.u32 s1, $0x2  }
0xb8: {  	s3 =	sand.u32 $0x4000, s31;
	s1 =	sadd.s32 s1, s30  }
0xb9: {  	s0 =	sor.u32 s3, s0;
	s1 =	sshll.u32 s1, $0x11  }
0xba: {  	s0 =	sor.u32 s1, s0  }
0xbb: {  	s0 =	sadd.s32 $0x8F2B, s0  }
0xbc: {  	[sflag:s0] =	ssyncadd.remote.s32 $0x1  }
0xbd: {  	_ =	sfence.sel $0xFFFF  }
0xbe: {  	[dreg:$0x0] =	wrdreg $0xFFFFFFFF;
	(pc) =	sbr.abs _section_cstart, $3  }
0xbf: {  	[dreg:$0x1] =	wrdreg $0xFFFFFFFF  }
0xc0: {  	_ =	task.clear_ibuf [dreg:s6], $0x2FFFF;
	_ =	strace $0x9FFFFFFF  }
0xc1: {  	(tm) =	ssettm $0x7FFFFFFF  }
tec
execute0_lowered:
.L_overlay_start_1:
0x0: {  	(tag) =	ssettag $0x1  }
0x1: {  	s1 =	srdreg.scid;
	s0 =	stileid.u32  }
0x2: {  	s4 =	rddreg [dreg:$0x0];
	s2 =	simm.s32 $0x0;
	s8 =	simm.s32 $0x80  }
0x3: {  	s9 =	simm.s32 $0x6400;
	s10 =	simm.s32 $0x8400;
	s11 =	simm.s32 $0x100  }
0x4: {  	s12 =	simm.s32 $0xA400;
	s13 =	simm.s32 $0x180;
	s14 =	simm.s32 $0xC400  }
0x5: {  	s15 =	simm.s32 $0x1;
	s16 =	simm.s32 $0x2;
	s17 =	simm.s32 $0x3  }
0x6: {  	s18 =	simm.s32 $0x4;
	s19 =	simm.s32 $0x40;
	s20 =	simm.s32 $0x0  }
0x7: {  	s3 =	sand.u32 $0x1, s1;
	s5 =	sshll.u32 s0, $0x1;
	[smem:$0x7FF] =	sst s2  }
0x8: {  	s1 =	rddreg [dreg:$0x1];
	s5 =	sor.u32 s3, s5;
	_ =	strace $0x80000047  }
0x9: {  	s7 =	ssub.s32 $0x2, s3;
	s6 =	smul.u32 $0xC80, s5;
	s5 =	sshll.u32 s5, $0xD  }
0xa: {  	s3 =	sadd.s32 $0xF43000, s4;
	s31 =	sshrl.u32 s7, $0x1;
	s5 =	sadd.s32 s5, s4  }
0xb: {  	s7 =	ssub.s32 s7, s31;
	s6 =	sadd.s32 s6, s4;
	s5 =	sadd.s32 $0x19C00, s5  }
0xc: {  	s4 =	sadd.s32 $0xC00, s6;
	s6 =	smax.u32 s7, $0x1;
	s7 =	simm.s32 $0x5  }
.LBB2_1:
0xd: {  	[tilespmem:s2], [sflag:$0x5] =	stream.linear.gather [hbm4b:s4+s2], $0x6400, $0x38;
	[tilespmem:$0xE400] =	vst v63  }
0xe: {  	_ =	swait.ge [sflag:s7], $0x6400  }
0xf: {  	[sflag:s7] =	ssyncset.done $0x0  }
0x10: {  	[sflag:s7] =	ssyncadd.s32 $0xFFFF9C00  }
0x11: {  	[tilespmem:s9], [sflag:$0x1] =	stream.indirect.gather [hbm4b:s3+s8], $0x40, s2, s8, $0xb8;
	[tilespmem:$0xE400] =	vst v63  }
0x12: {  	_ = 	snop  }
0x13: {  	[tilespmem:s10], [sflag:$0x2] =	stream.indirect.gather [hbm4b:s3+s8], $0x40, s8, s8, $0xb8;
	[tilespmem:$0xE400] =	vst v63  }
0x14: {  	_ = 	snop  }
0x15: {  	[tilespmem:s12], [sflag:$0x3] =	stream.indirect.gather [hbm4b:s3+s8], $0x40, s11, s8, $0xb8;
	[tilespmem:$0xE400] =	vst v63  }
0x16: {  	_ = 	snop  }
0x17: {  	[tilespmem:s14], [sflag:$0x4] =	stream.indirect.gather [hbm4b:s3+s8], $0x40, s13, s8, $0xb8;
	[tilespmem:$0xE400] =	vst v63  }
0x18: {  	_ =	swait.ge [sflag:s15], $0x2000  }
0x19: {  	[sflag:s15] =	ssyncset.done $0x0  }
0x1a: {  	s21 =	simm.s32 $0x200;
	[sflag:s15] =	ssyncadd.s32 $0xFFFFE000  }
0x1b: {  	[tilespmem:s9], [sflag:$0x1] =	stream.indirect.gather.add.f32 [hbm:s3], $0x40, s21, s8, $0xb8;
	[tilespmem:$0xE400] =	vst v63  }
0x1c: {  	_ =	swait.ge [sflag:s16], $0x2000  }
0x1d: {  	[sflag:s16] =	ssyncset.done $0x0  }
0x1e: {  	s30 =	simm.s32 $0x280;
	[sflag:s16] =	ssyncadd.s32 $0xFFFFE000  }
0x1f: {  	[tilespmem:s10], [sflag:$0x2] =	stream.indirect.gather.add.f32 [hbm:s3], $0x40, s30, s8, $0xb8;
	[tilespmem:$0xE400] =	vst v63  }
0x20: {  	_ =	swait.ge [sflag:s17], $0x2000  }
0x21: {  	[sflag:s17] =	ssyncset.done $0x0  }
0x22: {  	s31 =	simm.s32 $0x300;
	[sflag:s17] =	ssyncadd.s32 $0xFFFFE000  }
0x23: {  	[tilespmem:s12], [sflag:$0x3] =	stream.indirect.gather.add.f32 [hbm:s3], $0x40, s31, s8, $0xb8;
	[tilespmem:$0xE400] =	vst v63  }
0x24: {  	_ =	swait.ge [sflag:s18], $0x2000  }
0x25: {  	[sflag:s18] =	ssyncset.done $0x0  }
0x26: {  	s22 =	simm.s32 $0x380;
	s21 =	simm.s32 $0xFFFE8000;
	[sflag:s18] =	ssyncadd.s32 $0xFFFFE000  }
.LBB2_2:
0x27: {  	[tilespmem:s14], [sflag:$0x4] =	stream.indirect.gather.add.f32 [hbm:s3], $0x40, s22, s8, $0xb8;
	[tilespmem:$0xE400] =	vst v63  }
0x28: {  	s22 =	smov.u32 s21  }
0x29: {  	p0 =	sne.s32 s21, $0xFFFFF800;
	s21 =	sadd.s32 $0x800, s21;
	_ =	swait.ge [sflag:s15], $0x2000  }
0x2a: {  	s22 =	sshra.s32 s22, $0x2;
	[sflag:s15] =	ssyncset.done $0x0  }
0x2b: {  	s23 =	sadd.s32 $0x6400, s22;
	[sflag:s15] =	ssyncadd.s32 $0xFFFFE000  }
0x2c: {  	[tilespmem:s9], [sflag:$0x1] =	stream.indirect.gather.add.f32 [hbm:s3], $0x40, s23, s8, $0xb8;
	[tilespmem:$0xE400] =	vst v63  }
0x2d: {  	_ =	swait.ge [sflag:s16], $0x2000  }
0x2e: {  	[sflag:s16] =	ssyncset.done $0x0  }
0x2f: {  	s23 =	sadd.s32 $0x6480, s22;
	[sflag:s16] =	ssyncadd.s32 $0xFFFFE000  }
0x30: {  	[tilespmem:s10], [sflag:$0x2] =	stream.indirect.gather.add.f32 [hbm:s3], $0x40, s23, s8, $0xb8;
	[tilespmem:$0xE400] =	vst v63  }
0x31: {  	_ =	swait.ge [sflag:s17], $0x2000  }
0x32: {  	[sflag:s17] =	ssyncset.done $0x0  }
.Ltmp0:
0x33: {  	s23 =	sadd.s32 $0x6500, s22;
	[sflag:s17] =	ssyncadd.s32 $0xFFFFE000;
	(pc) =	sbr.rel @p0 .LBB2_2-.Ltmp0, $4  }
0x34: {  	[tilespmem:s12], [sflag:$0x3] =	stream.indirect.gather.add.f32 [hbm:s3], $0x40, s23, s8, $0xb8;
	[tilespmem:$0xE400] =	vst v63  }
0x35: {  	_ =	swait.ge [sflag:s18], $0x2000  }
0x36: {  	[sflag:s18] =	ssyncset.done $0x0  }
0x37: {  	s22 =	sadd.s32 $0x6580, s22;
	[sflag:s18] =	ssyncadd.s32 $0xFFFFE000  }
0x38: {  	[tilespmem:s14], [sflag:$0x4] =	stream.indirect.gather.add.f32 [hbm:s3], $0x40, s22, s8, $0xb8;
	[tilespmem:$0xE400] =	vst v63  }
0x39: {  	_ =	swait.ge [sflag:s15], $0x2000  }
0x3a: {  	[sflag:s15] =	ssyncset.done $0x0  }
0x3b: {  	[sflag:s15] =	ssyncadd.s32 $0xFFFFE000  }
0x3c: {  	_ =	swait.ge [sflag:s16], $0x2000  }
0x3d: {  	[sflag:s16] =	ssyncset.done $0x0  }
0x3e: {  	[sflag:s16] =	ssyncadd.s32 $0xFFFFE000  }
0x3f: {  	_ =	swait.ge [sflag:s17], $0x2000  }
0x40: {  	[sflag:s17] =	ssyncset.done $0x0  }
0x41: {  	[sflag:s17] =	ssyncadd.s32 $0xFFFFE000  }
0x42: {  	s20 =	sadd.s32 $0x1, s20;
	_ =	swait.ge [sflag:s18], $0x2000  }
0x43: {  	p0 =	sne.s32 s20, s6;
	[sflag:s18] =	ssyncset.done $0x0  }
.Ltmp1:
0x44: {  	[sflag:s18] =	ssyncadd.s32 $0xFFFFE000;
	(pc) =	sbr.rel @p0 .LBB2_1-.Ltmp1, $4  }
0x45: {  	[hbm4b:s5+s19] =	stream.strided.scatter [tilespmem:s9], [sflag:$0x5], $0x8000, s8, s19, $0x38;
	[tilespmem:$0xE400] =	vst v63  }
0x46: {  	_ =	swait.ge [sflag:s7], $0x8000  }
0x47: {  	[sflag:s7] =	ssyncset.done $0x0  }
0x48: {  	[sflag:s7] =	ssyncadd.s32 $0xFFFF8000  }
0x49: {  	_ =	sfence.sel $0x180000  }
0x4a: {  	[bflag:$0x0] =	sbarrier.arrive $0xFFFF  }
0x4b: {  	p0 =	sne.s32 s0, $0x0;
	_ =	strace $0x90000047  }
0x4c: {  	s0 =	sadd.s32 @!p0 $0x100000, s1;
	[bflag:$0x2] =	sbarrier.arrive $0xFFFF  }
0x4d: {  	[sflag:s0] =	ssyncadd.tile.s32 @!p0 $0x1;
	_ =	shalt  }
.Lfunc_end2:
_tile_overlayer_lowered:
.L_overlay_start_2:
0x4e: {  	(tag) =	ssettag $0x2  }
0x4f: {  	s0 =	rddreg [dreg:$0x0];
	s2 =	stileid.u32  }
0x50: {  	s1 =	rddreg [dreg:$0x1];
	p0 =	sne.s32 s2, $0x0  }
0x51: {  	s3 =	rddreg [dreg:$0x2];
	[bflag:$0x3] =	sbarrier.arrive $0xFFFF;
	s2 =	simm.s32 @!p0 $0x1C05  }
0x52: {  	[timem:s3], [sflag:s2] =	dma.local @!p0 [hbm:s0], s1  }
0x53: {  	s0 =	simm.s32 @!p0 $0x5  }
0x54: {  	_ =	swait.ge @!p0 [sflag:s0], s1  }
0x55: {  	s1 =	ssub.s32 @!p0 $0x0, s1;
	[sflag:s0] =	ssyncset.done @!p0 $0x0  }
0x56: {  	[sflag:s0] =	ssyncadd.s32 @!p0 s1  }
0x57: {  	[bflag:$0x3] =	sbarrier.arrive $0xFFFF  }
0x58: {  	_ =	shalt  }

</sc_bundles>
